<compile_context>
chip_gen: v7x
topology: tpu7x:2x2x1
jax: 0.10.2.dev20260603
libtpu: 0.0.44.dev20260713+nightly
codegen_flags: <defaults>
</compile_context>

<pallas_src>
import functools

import jax
import jax.numpy as jnp
from jax import lax
from jax.experimental import pallas as pl
from jax.experimental.pallas import tpu as pltpu
from jax.experimental.pallas import tpu_sc as plsc



def _tc_masks_block(itemid_ref, labels_ref, masked_ref, target_ref, perm_ref,
                    enc_ref, *, seq_len: int):
    item = itemid_ref[...]
    bb = item.shape[0]

    nonpad = (item != 0).astype(jnp.int32)
    last = jnp.sum(nonpad, axis=1, keepdims=True) - 1
    last = jnp.where(last < 0, last + seq_len, last)

    col = jax.lax.broadcasted_iota(jnp.int32, (bb, seq_len), 1)
    is_last = col == last

    labels = jnp.where(is_last, item, 0)
    labels_ref[...] = labels
    masked_ref[...] = labels != 0

    masked_row = jnp.sum(jnp.where(is_last, jnp.minimum(jnp.abs(item), 1), 0),
                         axis=1, keepdims=True)
    enc_ref[...] = last + seq_len * masked_row

    i2 = jax.lax.broadcasted_iota(jnp.int32, (seq_len, seq_len), 0)
    j2 = jax.lax.broadcasted_iota(jnp.int32, (seq_len, seq_len), 1)
    target_ref[...] = jnp.broadcast_to((i2 == j2).astype(jnp.float32)[None],
                                       (bb, seq_len, seq_len))

    upper = j2 > i2
    perm = upper[None, :, :] | is_last[:, None, :]
    perm_ref[...] = perm.astype(jnp.int32)


def _tc_masks(itemid_seq, B, S):
    bb = 32
    return pl.pallas_call(
        functools.partial(_tc_masks_block, seq_len=S),
        grid=(B // bb,),
        in_specs=[pl.BlockSpec((bb, S), lambda i: (i, 0))],
        out_specs=[
            pl.BlockSpec((bb, S), lambda i: (i, 0)),
            pl.BlockSpec((bb, S), lambda i: (i, 0)),
            pl.BlockSpec((bb, S, S), lambda i: (i, 0, 0)),
            pl.BlockSpec((bb, S, S), lambda i: (i, 0, 0)),
            pl.BlockSpec((bb, 1), lambda i: (i, 0)),
        ],
        out_shape=[
            jax.ShapeDtypeStruct((B, S), itemid_seq.dtype),
            jax.ShapeDtypeStruct((B, S), jnp.bool_),
            jax.ShapeDtypeStruct((B, S, S), jnp.float32),
            jax.ShapeDtypeStruct((B, S, S), jnp.int32),
            jax.ShapeDtypeStruct((B, 1), jnp.int32),
        ],
        compiler_params=pltpu.CompilerParams(
            dimension_semantics=("parallel",),
        ),
    )(itemid_seq)



def _make_sc_copy(n):
    info = plsc.get_sparse_core_info()
    NC, NS = info.num_cores, info.num_subcores
    NW = NC * NS
    chunk = n // NW
    mesh = plsc.VectorSubcoreMesh(core_axis_name="c", subcore_axis_name="s")

    @functools.partial(
        pl.kernel, mesh=mesh,
        out_type=jax.ShapeDtypeStruct((n,), jnp.float32),
    )
    def sc_copy(src_hbm, out_hbm):
        wid = lax.axis_index("s") * NC + lax.axis_index("c")
        base = wid * chunk
        pltpu.sync_copy(src_hbm.at[pl.ds(base, chunk)],
                        out_hbm.at[pl.ds(base, chunk)])

    return sc_copy



def _fix_body(enc_ref, memb_ref, pos_ref, out_ref, *, seq_len: int):
    b = pl.program_id(0)
    out_ref[...] = pos_ref[...]

    @pl.when(enc_ref[b] >= seq_len)
    def _():
        out_ref[...] = memb_ref[...][None, None]


def _fix_rows(pos_copied, enc, memb, B, S, H):
    pos4 = pos_copied.reshape(B, S, 1, H)
    grid_spec = pltpu.PrefetchScalarGridSpec(
        num_scalar_prefetch=1,
        grid=(B,),
        in_specs=[
            pl.BlockSpec((1, H), lambda b, enc: (0, 0)),
            pl.BlockSpec((1, 1, 1, H), lambda b, enc: (b, enc[b] % S, 0, 0)),
        ],
        out_specs=pl.BlockSpec((1, 1, 1, H),
                               lambda b, enc: (b, enc[b] % S, 0, 0)),
    )
    out4 = pl.pallas_call(
        functools.partial(_fix_body, seq_len=S),
        grid_spec=grid_spec,
        out_shape=jax.ShapeDtypeStruct((B, S, 1, H), jnp.float32),
        input_output_aliases={2: 0},
    )(enc, memb, pos4)
    return out4.reshape(B, S, H)


def kernel(pos_emb, itemid_seq, training, masked_item_embedding):
    B, S, H = pos_emb.shape

    pos_flat = pos_emb.reshape(B * S * H)
    memb = masked_item_embedding.reshape(1, H).astype(pos_emb.dtype)

    pos_copied = _make_sc_copy(B * S * H)(pos_flat).reshape(B, S, H)

    labels, masked_labels, target_mapping, perm_mask_out, enc2 = _tc_masks(
        itemid_seq, B, S)
    enc = enc2.reshape(B)

    pos_emb_inp = _fix_rows(pos_copied, enc, memb, B, S, H)

    return (pos_emb_inp, labels, masked_labels, target_mapping, perm_mask_out)

# --- scband reference (transcript-rebuilt; emitter-appended) ---
"""Pipeline reference for scband-plm-62199716380888 (READ-ONLY COPY).

The authoritative reference and input builder live on the scoring server;
editing this copy changes nothing except your own understanding.
"""

import jax, jax.numpy as jnp
import numpy as np

B, S, H = 1024, 200, 128
VOCAB = 100000
PAD = 0


def setup_inputs(seed: int = 0) -> dict:
    key = jax.random.key(seed)
    k1, k2, k3 = jax.random.split(key, 3)
    pos_emb = jax.random.normal(k1, (B, S, H), dtype=jnp.float32)
    itemid_seq = jax.random.randint(k2, (B, S), 0, VOCAB)
    training = 0  # eval path (deterministic); training path uses host-side RNG loops
    masked_item_embedding = jax.random.normal(k3, (H,), dtype=jnp.float32) * 0.001
    return {
        "pos_emb": pos_emb,
        "itemid_seq": itemid_seq,
        "training": training,
        "masked_item_embedding": masked_item_embedding,
    }


def reference(pos_emb, itemid_seq, training, masked_item_embedding):
    # PLM.forward with training=False -> plm_mask_tokens eval branch
    bs, sl = itemid_seq.shape
    non_padded_mask = itemid_seq != PAD
    rows_ids = jnp.arange(bs)
    last_item_sessions = non_padded_mask.sum(axis=1) - 1
    labels = jnp.full(itemid_seq.shape, PAD, dtype=itemid_seq.dtype)
    labels = labels.at[rows_ids, last_item_sessions].set(itemid_seq[rows_ids, last_item_sessions])
    masked_labels = labels != PAD
    perm_mask = jnp.zeros((bs, sl, sl), dtype=jnp.float32)
    perm_mask = perm_mask.at[rows_ids, :, last_item_sessions].set(1.0)
    causal_mask = jnp.ones((sl, sl), dtype=jnp.float32)
    mask_up = jnp.triu(causal_mask, k=1)
    temp_perm = jnp.broadcast_to(mask_up, (bs, sl, sl)) + perm_mask
    perm_mask_out = (temp_perm > 0).astype(jnp.int32)
    target_mapping = jnp.broadcast_to(
        jnp.diag(jnp.ones(sl, dtype=jnp.float32)), (bs, sl, sl)
    )
    pos_emb_inp = jnp.where(
        masked_labels[..., None],
        masked_item_embedding.astype(pos_emb.dtype),
        pos_emb,
    )
    # MaskOutput fields: masked_input, masked_label, mask_schema, plm_target_mapping, plm_perm_mask
    return (pos_emb_inp, labels, masked_labels, target_mapping, perm_mask_out)


if False:  # reference __main__ guard neutralized (emitter)
    out = reference(**setup_inputs())
    for o in out:
        print(o.shape, o.dtype)

if __name__ == "__main__":
    import jax
    _d = setup_inputs()
    print(jax.jit(kernel)(*tuple(_d.values())))

</pallas_src>

<mosaic_0001>
#map = affine_map<(d0, d1) -> (0)>
module attributes {stable_mosaic.version = 14 : i64} {
  func.func @sc_copy(%arg0: i32, %arg1: i32, %arg2: memref<26214400xf32, #tpu.memory_space<hbm>>, %arg3: memref<26214400xf32, #tpu.memory_space<hbm>>) attributes {dimension_semantics = [#tpu.dimension_semantics<core_parallel>, #tpu.dimension_semantics<subcore_parallel>], iteration_bounds = array<i64: 2, 16>, scalar_prefetch = 0 : i64, scratch_operands = 0 : i64, tpu.core_type = #tpu.core_type<sc_vector_subcore>, window_params = [{transform_indices = #map}, {transform_indices = #map}]} {
    %mul3A = arith.constant 2 : i32
    %mul3A_0 = arith.muli %arg1, %mul3A : i32
    %add3A = arith.addi %mul3A_0, %arg0 : i32
    %mul3A_1 = arith.constant 819200 : i32
    %mul3A_2 = arith.muli %add3A, %mul3A_1 : i32
    "tpu.region"() ({
      %run_scoped3A = tpu.sem_alloc : memref<!tpu.dma_semaphore, #tpu.memory_space<semaphore_mem>>
      %dma_start3A = tpu.memref_slice %arg3[%mul3A_2] : memref<26214400xf32, #tpu.memory_space<hbm>> -> memref<819200xf32, #tpu.memory_space<hbm>>
      %dma_start3A_3 = tpu.memref_slice %arg2[%mul3A_2] : memref<26214400xf32, #tpu.memory_space<hbm>> -> memref<819200xf32, #tpu.memory_space<hbm>>
      tpu.enqueue_dma source(%dma_start3A_3 : memref<819200xf32, #tpu.memory_space<hbm>>) target(%dma_start3A : memref<819200xf32, #tpu.memory_space<hbm>>) target_semaphore(%run_scoped3A : memref<!tpu.dma_semaphore, #tpu.memory_space<semaphore_mem>>)
      %dma_wait3A = tpu.memref_slice %arg3[%mul3A_2] : memref<26214400xf32, #tpu.memory_space<hbm>> -> memref<819200xf32, #tpu.memory_space<hbm>>
      %dma_wait3A_4 = tpu.memref_slice %arg2[%mul3A_2] : memref<26214400xf32, #tpu.memory_space<hbm>> -> memref<819200xf32, #tpu.memory_space<hbm>>
      tpu.wait_dma2 semaphore(%run_scoped3A : memref<!tpu.dma_semaphore, #tpu.memory_space<semaphore_mem>>) src(%dma_wait3A_4 : memref<819200xf32, #tpu.memory_space<hbm>>) dst(%dma_wait3A : memref<819200xf32, #tpu.memory_space<hbm>>)
      tpu.yield
    }) : () -> ()
    return
  }
}

module attributes {stable_mosaic.version = 14 : i64} {
  func.func @_tc_masks_block(%arg0: i32, %arg1: memref<32x200xi32, #tpu.memory_space<vmem>>, %arg2: memref<32x200xi32, #tpu.memory_space<vmem>>, %arg3: memref<32x200xi32, #tpu.memory_space<vmem>>, %arg4: memref<32x200x200xf32, #tpu.memory_space<vmem>>, %arg5: memref<32x200x200xi32, #tpu.memory_space<vmem>>, %arg6: memref<32x1xi32, #tpu.memory_space<vmem>>) attributes {dimension_semantics = [#tpu.dimension_semantics<parallel>], iteration_bounds = array<i64: 32>, scalar_prefetch = 0 : i64, scratch_operands = 0 : i64, tpu.core_type = #tpu.core_type<tc>, window_params = [{transform_indices = @transform_0, window_bounds = array<i64: 32, 200>}, {transform_indices = @transform_1, window_bounds = array<i64: 32, 200>}, {transform_indices = @transform_2, window_bounds = array<i64: 32, 200>}, {transform_indices = @transform_3, window_bounds = array<i64: 32, 200, 200>}, {transform_indices = @transform_4, window_bounds = array<i64: 32, 200, 200>}, {transform_indices = @transform_5, window_bounds = array<i64: 32, 1>}]} {
    %get3A = arith.constant 0 : index
    %get3A_0 = arith.constant 0 : index
    %get3A_1 = vector.load %arg1[%get3A, %get3A_0] : memref<32x200xi32, #tpu.memory_space<vmem>>, vector<32x200xi32>
    %ne3A = arith.constant 0 : i32
    %ne3A_2 = vector.broadcast %ne3A : i32 to vector<32x200xi32>
    %ne3A_3 = arith.cmpi ne, %get3A_1, %ne3A_2 : vector<32x200xi32>
    %convert_element_type3A = arith.extui %ne3A_3 : vector<32x200xi1> to vector<32x200xi32>
    %reduce_sum3A = arith.constant dense<0> : vector<32xi32>
    %reduce_sum3A_4 = vector.multi_reduction <add>, %convert_element_type3A, %reduce_sum3A [1] : vector<32x200xi32> to vector<32xi32>
    %broadcast_in_dim3A = vector.shape_cast %reduce_sum3A_4 : vector<32xi32> to vector<32x1xi32>
    %sub3A = arith.constant 1 : i32
    %sub3A_5 = vector.broadcast %sub3A : i32 to vector<32x1xi32>
    %sub3A_6 = arith.subi %broadcast_in_dim3A, %sub3A_5 : vector<32x1xi32>
    %lt3A = arith.constant 0 : i32
    %lt3A_7 = vector.broadcast %lt3A : i32 to vector<32x1xi32>
    %lt3A_8 = arith.cmpi slt, %sub3A_6, %lt3A_7 : vector<32x1xi32>
    %add3A = arith.constant 200 : i32
    %add3A_9 = vector.broadcast %add3A : i32 to vector<32x1xi32>
    %add3A_10 = arith.addi %sub3A_6, %add3A_9 : vector<32x1xi32>
    %select_n3A = arith.select %lt3A_8, %add3A_10, %sub3A_6 : vector<32x1xi1>, vector<32x1xi32>
    %iota3A = tpu.iota {dimensions = array<i32: 1>} : vector<32x200xi32>
    %eq3A = vector.broadcast %select_n3A : vector<32x1xi32> to vector<32x200xi32>
    %eq3A_11 = arith.cmpi eq, %iota3A, %eq3A : vector<32x200xi32>
    %jit3A = arith.constant 0 : i32
    %broadcast_in_dim3A_12 = vector.broadcast %jit3A : i32 to vector<32x200xi32>
    %select_n3A_13 = arith.select %eq3A_11, %get3A_1, %broadcast_in_dim3A_12 : vector<32x200xi1>, vector<32x200xi32>
    %swap3A = arith.constant 0 : index
    %swap3A_14 = arith.constant 0 : index
    %swap3A_15 = vector.load %arg2[%swap3A, %swap3A_14] : memref<32x200xi32, #tpu.memory_space<vmem>>, vector<32x200xi32>
    tpu.vector_store %arg2[%swap3A, %swap3A_14], %select_n3A_13 {strides = array<i32>} : memref<32x200xi32, #tpu.memory_space<vmem>>, vector<32x200xi32>,
    %ne3A_16 = arith.constant 0 : i32
    %ne3A_17 = vector.broadcast %ne3A_16 : i32 to vector<32x200xi32>
    %ne3A_18 = arith.cmpi ne, %select_n3A_13, %ne3A_17 : vector<32x200xi32>
    %swap3A_19 = arith.constant 0 : index
    %swap3A_20 = arith.constant 0 : index
    %swap3A_21 = vector.load %arg3[%swap3A_19, %swap3A_20] : memref<32x200xi32, #tpu.memory_space<vmem>>, vector<32x200xi32>
    %swap3A_22 = arith.extui %ne3A_18 : vector<32x200xi1> to vector<32x200xi32>
    %swap3A_23 = arith.constant dense<0> : vector<32x200xi32>
    %swap3A_24 = arith.cmpi ne, %swap3A_21, %swap3A_23 : vector<32x200xi32>
    tpu.vector_store %arg3[%swap3A_19, %swap3A_20], %swap3A_22 {strides = array<i32>} : memref<32x200xi32, #tpu.memory_space<vmem>>, vector<32x200xi32>,
    %abs3A = math.absi %get3A_1 : vector<32x200xi32>
    %min3A = arith.constant 1 : i32
    %min3A_25 = vector.broadcast %min3A : i32 to vector<32x200xi32>
    %min3A_26 = arith.minsi %abs3A, %min3A_25 : vector<32x200xi32>
    %jit3A_27 = arith.constant 0 : i32
    %broadcast_in_dim3A_28 = vector.broadcast %jit3A_27 : i32 to vector<32x200xi32>
    %select_n3A_29 = arith.select %eq3A_11, %min3A_26, %broadcast_in_dim3A_28 : vector<32x200xi1>, vector<32x200xi32>
    %reduce_sum3A_30 = arith.constant dense<0> : vector<32xi32>
    %reduce_sum3A_31 = vector.multi_reduction <add>, %select_n3A_29, %reduce_sum3A_30 [1] : vector<32x200xi32> to vector<32xi32>
    %broadcast_in_dim3A_32 = vector.shape_cast %reduce_sum3A_31 : vector<32xi32> to vector<32x1xi32>
    %mul3A = arith.constant 200 : i32
    %mul3A_33 = vector.broadcast %mul3A : i32 to vector<32x1xi32>
    %mul3A_34 = arith.muli %mul3A_33, %broadcast_in_dim3A_32 : vector<32x1xi32>
    %add3A_35 = arith.addi %select_n3A, %mul3A_34 : vector<32x1xi32>
    %swap3A_36 = arith.constant 0 : index
    %swap3A_37 = arith.constant 0 : index
    %swap3A_38 = vector.load %arg6[%swap3A_36, %swap3A_37] : memref<32x1xi32, #tpu.memory_space<vmem>>, vector<32x1xi32>
    tpu.vector_store %arg6[%swap3A_36, %swap3A_37], %add3A_35 {strides = array<i32>} : memref<32x1xi32, #tpu.memory_space<vmem>>, vector<32x1xi32>,
    %iota3A_39 = tpu.iota {dimensions = array<i32: 0>} : vector<200x200xi32>
    %iota3A_40 = tpu.iota {dimensions = array<i32: 1>} : vector<200x200xi32>
    %eq3A_41 = arith.cmpi eq, %iota3A_39, %iota3A_40 : vector<200x200xi32>
    %convert_element_type3A_42 = arith.extui %eq3A_41 : vector<200x200xi1> to vector<200x200xi32>
    %convert_element_type3A_43 = arith.sitofp %convert_element_type3A_42 : vector<200x200xi32> to vector<200x200xf32>
    %broadcast_in_dim3A_44 = vector.shape_cast %convert_element_type3A_43 : vector<200x200xf32> to vector<1x200x200xf32>
    %broadcast_in_dim3A_45 = vector.shape_cast %broadcast_in_dim3A_44 : vector<1x200x200xf32> to vector<1x200x200xf32>
    %broadcast_in_dim3A_46 = vector.broadcast %broadcast_in_dim3A_45 : vector<1x200x200xf32> to vector<32x200x200xf32>
    %swap3A_47 = arith.constant 0 : index
    %swap3A_48 = arith.constant 0 : index
    %swap3A_49 = arith.constant 0 : index
    %swap3A_50 = vector.load %arg4[%swap3A_47, %swap3A_48, %swap3A_49] : memref<32x200x200xf32, #tpu.memory_space<vmem>>, vector<32x200x200xf32>
    tpu.vector_store %arg4[%swap3A_47, %swap3A_48, %swap3A_49], %broadcast_in_dim3A_46 {strides = array<i32>} : memref<32x200x200xf32, #tpu.memory_space<vmem>>, vector<32x200x200xf32>,
    %gt3A = arith.cmpi sgt, %iota3A_40, %iota3A_39 : vector<200x200xi32>
    %broadcast_in_dim3A_51 = vector.shape_cast %gt3A : vector<200x200xi1> to vector<1x200x200xi1>
    %broadcast_in_dim3A_52 = vector.shape_cast %eq3A_11 : vector<32x200xi1> to vector<32x1x200xi1>
    %or3A = vector.broadcast %broadcast_in_dim3A_51 : vector<1x200x200xi1> to vector<32x200x200xi1>
    %or3A_53 = vector.broadcast %broadcast_in_dim3A_52 : vector<32x1x200xi1> to vector<32x200x200xi1>
    %or3A_54 = arith.ori %or3A, %or3A_53 : vector<32x200x200xi1>
    %convert_element_type3A_55 = arith.extui %or3A_54 : vector<32x200x200xi1> to vector<32x200x200xi32>
    %swap3A_56 = arith.constant 0 : index
    %swap3A_57 = arith.constant 0 : index
    %swap3A_58 = arith.constant 0 : index
    %swap3A_59 = vector.load %arg5[%swap3A_56, %swap3A_57, %swap3A_58] : memref<32x200x200xi32, #tpu.memory_space<vmem>>, vector<32x200x200xi32>
    tpu.vector_store %arg5[%swap3A_56, %swap3A_57, %swap3A_58], %convert_element_type3A_55 {strides = array<i32>} : memref<32x200x200xi32, #tpu.memory_space<vmem>>, vector<32x200x200xi32>,
    return
  }
  func.func @transform_0(%arg0: i32) -> (i32, i32) {
    %c0_i32 = arith.constant 0 : i32
    %c0_i32_0 = arith.constant 0 : i32
    return %arg0, %c0_i32 : i32, i32
  }
  func.func @transform_1(%arg0: i32) -> (i32, i32) {
    %c0_i32 = arith.constant 0 : i32
    %c0_i32_0 = arith.constant 0 : i32
    return %arg0, %c0_i32 : i32, i32
  }
  func.func @transform_2(%arg0: i32) -> (i32, i32) {
    %c0_i32 = arith.constant 0 : i32
    %c0_i32_0 = arith.constant 0 : i32
    return %arg0, %c0_i32 : i32, i32
  }
  func.func @transform_3(%arg0: i32) -> (i32, i32, i32) {
    %c0_i32 = arith.constant 0 : i32
    %c0_i32_0 = arith.constant 0 : i32
    %c0_i32_1 = arith.constant 0 : i32
    return %arg0, %c0_i32, %c0_i32_0 : i32, i32, i32
  }
  func.func @transform_4(%arg0: i32) -> (i32, i32, i32) {
    %c0_i32 = arith.constant 0 : i32
    %c0_i32_0 = arith.constant 0 : i32
    %c0_i32_1 = arith.constant 0 : i32
    return %arg0, %c0_i32, %c0_i32_0 : i32, i32, i32
  }
  func.func @transform_5(%arg0: i32) -> (i32, i32) {
    %c0_i32 = arith.constant 0 : i32
    %c0_i32_0 = arith.constant 0 : i32
    return %arg0, %c0_i32 : i32, i32
  }
}

module attributes {stable_mosaic.version = 14 : i64} {
  func.func @_fix_body(%arg0: i32, %arg1: memref<1024xi32, #tpu.memory_space<smem>>, %arg2: memref<1x128xf32, #tpu.memory_space<vmem>>, %arg3: memref<1x1x1x128xf32, #tpu.memory_space<vmem>>, %arg4: memref<1x1x1x128xf32, #tpu.memory_space<vmem>>) attributes {dimension_semantics = [#tpu.dimension_semantics<arbitrary>], iteration_bounds = array<i64: 1024>, scalar_prefetch = 1 : i64, scratch_operands = 0 : i64, tpu.core_type = #tpu.core_type<tc>, window_params = [{pipeline_mode = #tpu.pipeline_mode<synchronous>, transform_indices = @transform_0, window_bounds = array<i64: 1, 128>}, {transform_indices = @transform_1, window_bounds = array<i64: 1, 1, 1, 128>}, {transform_indices = @transform_2, window_bounds = array<i64: 1, 1, 1, 128>}]} {
    %get3A = arith.constant 0 : index
    %get3A_0 = arith.constant 0 : index
    %get3A_1 = arith.constant 0 : index
    %get3A_2 = arith.constant 0 : index
    %get3A_3 = vector.load %arg3[%get3A, %get3A_0, %get3A_1, %get3A_2] : memref<1x1x1x128xf32, #tpu.memory_space<vmem>>, vector<1x1x1x128xf32>
    %swap3A = arith.constant 0 : index
    %swap3A_4 = arith.constant 0 : index
    %swap3A_5 = arith.constant 0 : index
    %swap3A_6 = arith.constant 0 : index
    %swap3A_7 = vector.load %arg4[%swap3A, %swap3A_4, %swap3A_5, %swap3A_6] : memref<1x1x1x128xf32, #tpu.memory_space<vmem>>, vector<1x1x1x128xf32>
    tpu.vector_store %arg4[%swap3A, %swap3A_4, %swap3A_5, %swap3A_6], %get3A_3 {strides = array<i32>} : memref<1x1x1x128xf32, #tpu.memory_space<vmem>>, vector<1x1x1x128xf32>,
    %get3A_8 = arith.index_cast %arg0 : i32 to index
    %get3A_9 = memref.load %arg1[%get3A_8] : memref<1024xi32, #tpu.memory_space<smem>>
    %ge3A = arith.constant 200 : i32
    %ge3A_10 = arith.cmpi sge, %get3A_9, %ge3A : i32
    %convert_element_type3A = arith.extui %ge3A_10 : i1 to i32
    %cond3A = arith.constant 0 : i32
    %cond3A_11 = arith.cmpi ne, %convert_element_type3A, %cond3A : i32
    scf.if %cond3A_11 {
      %get3A_12 = arith.constant 0 : index
      %get3A_13 = arith.constant 0 : index
      %get3A_14 = vector.load %arg2[%get3A_12, %get3A_13] : memref<1x128xf32, #tpu.memory_space<vmem>>, vector<1x128xf32>
      %broadcast_in_dim3A = vector.shape_cast %get3A_14 : vector<1x128xf32> to vector<1x1x1x128xf32>
      %swap3A_15 = arith.constant 0 : index
      %swap3A_16 = arith.constant 0 : index
      %swap3A_17 = arith.constant 0 : index
      %swap3A_18 = arith.constant 0 : index
      %swap3A_19 = vector.load %arg4[%swap3A_15, %swap3A_16, %swap3A_17, %swap3A_18] : memref<1x1x1x128xf32, #tpu.memory_space<vmem>>, vector<1x1x1x128xf32>
      tpu.vector_store %arg4[%swap3A_15, %swap3A_16, %swap3A_17, %swap3A_18], %broadcast_in_dim3A {strides = array<i32>} : memref<1x1x1x128xf32, #tpu.memory_space<vmem>>, vector<1x1x1x128xf32>,
    } else {
    }
    return
  }
  func.func @transform_0(%arg0: i32, %arg1: memref<1024xi32, #tpu.memory_space<smem>>) -> (i32, i32) {
    %c0_i32 = arith.constant 0 : i32
    %c0_i32_0 = arith.constant 0 : i32
    %c0_i32_1 = arith.constant 0 : i32
    return %c0_i32, %c0_i32_0 : i32, i32
  }
  func.func @transform_1(%arg0: i32, %arg1: memref<1024xi32, #tpu.memory_space<smem>>) -> (i32, i32, i32, i32) {
    %get3A = arith.index_cast %arg0 : i32 to index
    %get3A_0 = memref.load %arg1[%get3A] : memref<1024xi32, #tpu.memory_space<smem>>
    %jit3A = arith.constant 200 : i32
    %eq3A = arith.constant 0 : i32
    %eq3A_1 = arith.cmpi eq, %jit3A, %eq3A : i32
    %jit3A_2 = arith.constant 1 : i32
    %select_n3A = arith.select %eq3A_1, %jit3A_2, %jit3A : i32
    %rem3A = arith.remsi %get3A_0, %select_n3A : i32
    %ne3A = arith.constant 0 : i32
    %ne3A_3 = arith.cmpi ne, %rem3A, %ne3A : i32
    %lt3A = arith.constant 0 : i32
    %lt3A_4 = arith.cmpi slt, %rem3A, %lt3A : i32
    %lt3A_5 = arith.constant 0 : i32
    %lt3A_6 = arith.cmpi slt, %select_n3A, %lt3A_5 : i32
    %ne3A_7 = arith.xori %lt3A_4, %lt3A_6 : i1
    %and3A = arith.andi %ne3A_7, %ne3A_3 : i1
    %add3A = arith.addi %rem3A, %select_n3A : i32
    %select_n3A_8 = arith.select %and3A, %add3A, %rem3A : i32
    %c0_i32 = arith.constant 0 : i32
    %c0_i32_9 = arith.constant 0 : i32
    %c0_i32_10 = arith.constant 0 : i32
    return %arg0, %select_n3A_8, %c0_i32, %c0_i32_9 : i32, i32, i32, i32
  }
  func.func @transform_2(%arg0: i32, %arg1: memref<1024xi32, #tpu.memory_space<smem>>) -> (i32, i32, i32, i32) {
    %get3A = arith.index_cast %arg0 : i32 to index
    %get3A_0 = memref.load %arg1[%get3A] : memref<1024xi32, #tpu.memory_space<smem>>
    %jit3A = arith.constant 200 : i32
    %eq3A = arith.constant 0 : i32
    %eq3A_1 = arith.cmpi eq, %jit3A, %eq3A : i32
    %jit3A_2 = arith.constant 1 : i32
    %select_n3A = arith.select %eq3A_1, %jit3A_2, %jit3A : i32
    %rem3A = arith.remsi %get3A_0, %select_n3A : i32
    %ne3A = arith.constant 0 : i32
    %ne3A_3 = arith.cmpi ne, %rem3A, %ne3A : i32
    %lt3A = arith.constant 0 : i32
    %lt3A_4 = arith.cmpi slt, %rem3A, %lt3A : i32
    %lt3A_5 = arith.constant 0 : i32
    %lt3A_6 = arith.cmpi slt, %select_n3A, %lt3A_5 : i32
    %ne3A_7 = arith.xori %lt3A_4, %lt3A_6 : i1
    %and3A = arith.andi %ne3A_7, %ne3A_3 : i1
    %add3A = arith.addi %rem3A, %select_n3A : i32
    %select_n3A_8 = arith.select %and3A, %add3A, %rem3A : i32
    %c0_i32 = arith.constant 0 : i32
    %c0_i32_9 = arith.constant 0 : i32
    %c0_i32_10 = arith.constant 0 : i32
    return %arg0, %select_n3A_8, %c0_i32, %c0_i32_9 : i32, i32, i32, i32
  }
}

</mosaic_0001>

<sc_bundles>
// kernel: kernel.5.cloned.1.call-start
scs
__scs_entry_jumppad:
0x0: {  	(pc) =	sbr.rel $0x88, $3  }
0x1: {  	(tag) =	ssettag $0x0;
	lr =	simm.s32 $0x1  }
0x2: {  	[smem:$0x3F9E] =	sst lr;
	_ =	strace $0xD0000000  }
0x3: {  	_ = 	snop  }
0x4: {  	_ = 	snop  }
0x5: {  	_ = 	snop  }
0x6: {  	_ = 	snop  }
0x7: {  	_ = 	snop  }
__scs_overlays_trampoline_lowered:
0x8: {  	[smem:$0x3FAD] =	sst s0  }
0x9: {  	[smem:$0x3FAE] =	sst s1  }
0xa: {  	[smem:$0x3FAF] =	sst s2  }
0xb: {  	[smem:$0x3FB0] =	sst s3  }
0xc: {  	[smem:$0x3FB1] =	sst s4  }
0xd: {  	[smem:$0x3FB2] =	sst s5  }
0xe: {  	[smem:$0x3FB3] =	sst s6  }
0xf: {  	[smem:$0x3FB4] =	sst s7  }
0x10: {  	[smem:$0x3FB5] =	sst s8  }
0x11: {  	[smem:$0x3FB6] =	sst s9;
	s0 =	simm.s32 @!p0 $0x0  }
0x12: {  	s1 =	sld [smem:$0x3F9C];
	s0 =	simm.s32 @p0 $0x1  }
0x13: {  	[smem:$0x3FB7] =	sst s0;
	s0 =	simm.s32 @!p1 $0x0  }
0x14: {  	s2 =	sld [smem:$0x3F9B];
	s0 =	simm.s32 @p1 $0x1  }
0x15: {  	[smem:$0x3FB8] =	sst s0;
	s0 =	simm.s32 @!p2 $0x0  }
0x16: {  	s3 =	sld [smem:$0x3FDB];
	s0 =	simm.s32 @p2 $0x1  }
0x17: {  	s4 =	simm.s32 $0x1BF5;
	[smem:$0x3FBA] =	sst s0  }
0x18: {  	s0 =	sld [smem:$0x3F9D];
	_ =	swait.ge [sflag:s4], $0x0  }
0x19: {  	s7 =	sld [smem:$0x3F9E]  }
0x1a: {  	s8 =	sadd.s32 $0xFFFFE003, lr  }
0x1b: {  	s9 =	sadd.s32 $0xFFFFFEF7, lr;
	s5 =	simm.s32 $0xFFFFFFFF;
	p2 =	slt.u32 s8, $0xFFFFF086  }
0x1c: {  	p1 =	slt.u32 s9, $0xF7A;
	s5 =	simm.s32 @!p2 $0x0  }
0x1d: {  	s5 =	simm.s32 @p1 $0x1;
	p0 =	seq.s32 s7, s2  }
0x1e: {  	s7 =	smul.u32 @!p0 $0xF7A, s2;
	p2 =	seq.s32 @!p0 s5, $0x0  }
0x1f: {  	s9 =	smul.u32 $0xF7A, s1;
	s8 =	simm.s32 @!p0 $0x1BF5;
	p2 =	por !p2, p0  }
0x20: {  	[sflag:s8] =	ssyncset.s32 @!p0 $0xFFFFF086;
	s6 =	sadd.s32 @!p0 s3, s7;
	s7 =	simm.s32 @!p0 $0x108  }
0x21: {  	s3 =	sadd.s32 s3, s9;
	s6 =	sadd.s32 @!p0 $0x88, s6;
	s7 =	simm.s32 @p2 $0x1082  }
0x22: {  	[simem:s7], [sflag:s8] =	dma.local @!p0 [hbm:s6], $0xF7A  }
0x23: {  	s9 =	sor.u32 $0xD0000000, s2;
	s6 =	simm.s32 $0x108;
	_ =	swait.ge @!p0 [sflag:s8], $0x0  }
0x24: {  	s3 =	sadd.s32 $0x88, s3;
	s6 =	simm.s32 @!p1 $0x1082;
	[sflag:s4] =	ssyncset.s32 $0xFFFFF086  }
0x25: {  	[simem:s6], [sflag:s4] =	dma.local [hbm:s3], $0xF7A  }
0x26: {  	[smem:$0x3F9E] =	sst s1;
	(tag) =	ssettag s2;
	_ =	strace s9  }
0x27: {  	s1 =	sld [smem:$0x3FAE]  }
0x28: {  	s2 =	sld [smem:$0x3FAF]  }
0x29: {  	s4 =	sld [smem:$0x3FB1]  }
0x2a: {  	p0 =	seq.s32 s5, $0x0;
	s5 =	sld [smem:$0x3FB2]  }
0x2b: {  	s6 =	sld [smem:$0x3FB3]  }
0x2c: {  	s7 =	sld [smem:$0x3FB4]  }
0x2d: {  	s3 =	simm.s32 $0x108;
	s8 =	sld [smem:$0x3FB5]  }
0x2e: {  	s3 =	simm.s32 @!p0 $0x1082;
	s9 =	sld [smem:$0x3FB6]  }
0x2f: {  	lr =	sadd.s32 s0, s3;
	s0 =	sld [smem:$0x3FAD]  }
0x30: {  	s3 =	sld [smem:$0x3FB0]  }
0x31: {  	[smem:$0x3FB9] =	sst s10  }
0x32: {  	s10 =	sld [smem:$0x3FB7];
	_ =	sdelay $0x3  }
0x33: {  	p0 =	seq.s32 s10, $0x1;
	s10 =	sld [smem:$0x3FB9];
	_ =	sdelay $0x3  }
0x34: {  	[smem:$0x3FB9] =	sst s10  }
0x35: {  	s10 =	sld [smem:$0x3FB8];
	_ =	sdelay $0x3  }
0x36: {  	p1 =	seq.s32 s10, $0x1;
	s10 =	sld [smem:$0x3FB9];
	_ =	sdelay $0x3  }
0x37: {  	[smem:$0x3FB9] =	sst s10  }
0x38: {  	s10 =	sld [smem:$0x3FBA]  }
0x39: {  	_ = 	snop;
	(pc) =	sbr.ind lr, $3  }
0x3a: {  	_ = 	snop  }
0x3b: {  	_ = 	snop  }
0x3c: {  	p2 =	seq.s32 s10, $0x1;
	s10 =	sld [smem:$0x3FB9]  }
0x3d: {  	_ =	shalt  }
0x3e: {  	_ =	shalt  }
0x3f: {  	_ =	shalt  }
0x40: {  	_ =	shalt  }
0x41: {  	_ =	shalt  }
0x42: {  	_ =	shalt  }
0x43: {  	_ =	shalt  }
0x44: {  	_ =	shalt  }
0x45: {  	_ =	shalt  }
0x46: {  	_ =	shalt  }
0x47: {  	_ =	shalt  }
0x48: {  	_ =	shalt  }
0x49: {  	_ =	shalt  }
0x4a: {  	_ =	shalt  }
0x4b: {  	_ =	shalt  }
0x4c: {  	_ =	shalt  }
0x4d: {  	_ =	shalt  }
0x4e: {  	_ =	shalt  }
0x4f: {  	_ =	shalt  }
0x50: {  	_ =	shalt  }
0x51: {  	_ =	shalt  }
0x52: {  	_ =	shalt  }
0x53: {  	_ =	shalt  }
0x54: {  	_ =	shalt  }
0x55: {  	_ =	shalt  }
0x56: {  	_ =	shalt  }
0x57: {  	_ =	shalt  }
0x58: {  	_ =	shalt  }
0x59: {  	_ =	shalt  }
0x5a: {  	_ =	shalt  }
0x5b: {  	_ =	shalt  }
0x5c: {  	_ =	shalt  }
0x5d: {  	_ =	shalt  }
0x5e: {  	_ =	shalt  }
0x5f: {  	_ =	shalt  }
0x60: {  	_ =	shalt  }
0x61: {  	_ =	shalt  }
0x62: {  	_ =	shalt  }
0x63: {  	_ =	shalt  }
0x64: {  	_ =	shalt  }
0x65: {  	_ =	shalt  }
0x66: {  	_ =	shalt  }
0x67: {  	_ =	shalt  }
0x68: {  	_ =	shalt  }
0x69: {  	_ =	shalt  }
0x6a: {  	_ =	shalt  }
0x6b: {  	_ =	shalt  }
0x6c: {  	_ =	shalt  }
0x6d: {  	_ =	shalt  }
0x6e: {  	_ =	shalt  }
0x6f: {  	_ =	shalt  }
0x70: {  	_ =	shalt  }
0x71: {  	_ =	shalt  }
0x72: {  	_ =	shalt  }
0x73: {  	_ =	shalt  }
0x74: {  	_ =	shalt  }
0x75: {  	_ =	shalt  }
0x76: {  	_ =	shalt  }
0x77: {  	_ =	shalt  }
0x78: {  	_ =	shalt  }
0x79: {  	_ =	shalt  }
0x7a: {  	_ =	shalt  }
0x7b: {  	_ =	shalt  }
0x7c: {  	_ =	shalt  }
0x7d: {  	_ =	shalt  }
0x7e: {  	_ =	shalt  }
0x7f: {  	_ =	shalt  }
0x80: {  	_ =	shalt  }
0x81: {  	_ =	shalt  }
0x82: {  	_ =	shalt  }
0x83: {  	_ =	shalt  }
0x84: {  	_ =	shalt  }
0x85: {  	_ =	shalt  }
0x86: {  	_ =	shalt  }
0x87: {  	_ =	shalt  }
.Lfunc_end0:
.L_simem_size_0:
called_computation_lowered:
.L_overlay_start_0:
0x88: {  	s2 =	sld [smem:$0x3FD9]  }
0x89: {  	s3 =	sld [smem:$0x3FFE];
	_ =	sdelay $0x1  }
0x8a: {  	s1 =	srdreg.scid  }
0x8b: {  	s0 =	sand.u32 $0x1, s1  }
0x8c: {  	s15 =	sshll.u32 s0, $0xA;
	s2 =	sadd.s32 s3, s2  }
0x8d: {  	s2 =	sadd.s32 s2, s15  }
0x8e: {  	[smem:$0x3FC5] =	sst s2  }
0x8f: {  	_ = 	snop  }
0x90: {  	s2 =	sld [smem:$0x3FD0];
	_ =	sdelay $0x2  }
0x91: {  	s4 =	simm.s32 $0xA;
	s5 =	simm.s32 $0x10;
	s16 =	sld [smem:$0x3FC9]  }
0x92: {  	[smem:s5], [sflag:s4] =	dma.local [hbm:s2], $0x1  }
0x93: {  	_ =	swait.eq [sflag:s4], $0x1  }
0x94: {  	[sflag:s4] =	ssyncset.done $0x0  }
0x95: {  	[sflag:s4] =	ssyncadd.s32 $0xFFFFFFFF  }
0x96: {  	s17 =	sld [smem:$0x10];
	(tm) =	ssettm $0x1  }
0x97: {  	s18 =	sld [smem:$0x3FFB];
	_ =	sdelay $0x3  }
0x98: {  	_ =	strace s18  }
0x99: {  	s4 =	sld [smem:$0x3FFC];
	_ =	sdelay $0x3  }
0x9a: {  	_ =	strace s4  }
0x9b: {  	s4 =	sld [smem:$0x3FFD];
	_ =	sdelay $0x3  }
0x9c: {  	_ =	strace s4  }
0x9d: {  	_ =	strace $0x8FFFFFFF  }
0x9e: {  	s19 =	sld [smem:$0x3FDB];
	_ =	sdelay $0x1  }
0x9f: {  	s20 =	simm.s32 $_scs_section_size  }
0xa0: {  	s6 =	simm.s32 $_size__tile_overlayer_lowered;
	s7 =	simm.s32 $_tile_overlayer_lowered  }
0xa1: {  	s23 =	simm.s32 $0x1BFF;
	s22 =	sshll.u32 s7, $0x1;
	s4 =	sadd.s32 s20, s19  }
0xa2: {  	s8 =	simm.s32 $0x0;
	s21 =	sshll.u32 s6, $0x1;
	s6 =	sadd.s32 s22, s4  }
0xa3: {  	[timem:s8], [sflag:s23] =	dma.local [hbm:s6], s21  }
0xa4: {  	_ =	swait.ge [sflag:s23], s21  }
0xa5: {  	s5 =	ssub.s32 $0x0, s21;
	[sflag:s23] =	ssyncset.done $0x0  }
0xa6: {  	[sflag:s23] =	ssyncadd.s32 s5;
	_ =	sdelay $0x1  }
0xa7: {  	s24 =	simm.s32 $0x1B8B  }
0xa8: {  	_ =	swait.ge [sflag:s24], $0x1  }
0xa9: {  	[sflag:s24] =	ssyncset.done $0x0  }
0xaa: {  	s25 =	simm.s32 $0x1B8E;
	[sflag:s24] =	ssyncadd.s32 $0xFFFFFFFF  }
0xab: {  	s26 =	simm.s32 $execute0_lowered;
	[smem:$0x3FD2] =	sst s25  }
0xac: {  	s5 =	sshll.u32 s26, $0x1;
	_ =	strace $0x80000046;
	[dreg:$0x1] =	wrdreg $0xFFFFFFFF  }
0xad: {  	s28 =	simm.s32 $_size_execute0_lowered;
	s4 =	sadd.s32 s4, s5;
	[dreg:$0x0] =	wrdreg $0x0  }
0xae: {  	s5 =	sshll.u32 s28, $0x1;
	[dreg:$0x2] =	wrdreg s4  }
0xaf: {  	[dreg:$0x3] =	wrdreg s5  }
0xb0: {  	[dreg:$0x4] =	wrdreg $0xC0  }
0xb1: {  	_ =	task [dreg:s8], $0x5FFFF  }
0xb2: {  	[dreg:$0x1] =	wrdreg $0xFFFFFFFF  }
0xb3: {  	[dreg:$0x0] =	wrdreg $0x60  }
0xb4: {  	[dreg:$0x2] =	wrdreg s16  }
0xb5: {  	[dreg:$0x3] =	wrdreg s17  }
0xb6: {  	[dreg:$0x4] =	wrdreg $0x9  }
0xb7: {  	_ =	task.clear_ibuf [dreg:s8], $0x5FFFF;
	_ =	strace $0x90000046  }
0xb8: {  	s29 =	simm.s32 $0x9;
	_ =	strace $0x80000048  }
0xb9: {  	_ =	swait.ge [sflag:s29], $0x1  }
0xba: {  	[sflag:s29] =	ssyncadd.s32 $0xFFFFFFFF  }
0xbb: {  	_ =	strace $0x90000048  }
0xbc: {  	_ =	sfence  }
0xbd: {  	s30 =	sld [smem:$0x0];
	_ =	sdelay $0x2  }
0xbe: {  	s31 =	sshll.u32 s1, $0xD;
	s1 =	sshrl.u32 s1, $0x2  }
0xbf: {  	s3 =	sand.u32 $0x4000, s31;
	s1 =	sadd.s32 s1, s30  }
0xc0: {  	s0 =	sor.u32 s3, s0;
	s1 =	sshll.u32 s1, $0x11  }
0xc1: {  	s0 =	sor.u32 s1, s0  }
0xc2: {  	s0 =	sadd.s32 $0x8F2B, s0  }
0xc3: {  	[sflag:s0] =	ssyncadd.remote.s32 $0x1  }
0xc4: {  	_ =	sfence.sel $0xFFFF  }
0xc5: {  	[dreg:$0x0] =	wrdreg $0xFFFFFFFF;
	(pc) =	sbr.abs _section_cstart, $3  }
0xc6: {  	[dreg:$0x1] =	wrdreg $0xFFFFFFFF  }
0xc7: {  	_ =	task.clear_ibuf [dreg:s8], $0x2FFFF;
	_ =	strace $0x9FFFFFFF  }
0xc8: {  	(tm) =	ssettm $0x7FFFFFFF  }
0xc9: {  	_ =	shalt  }
tec
execute0_lowered:
.L_overlay_start_1:
0x0: {  	(tag) =	ssettag $0x1  }
0x1: {  	s4 =	srdreg.scid;
	s1 =	stileid.u32  }
0x2: {  	s4 =	sand.u32 $0x1, s4;
	s5 =	sshll.u32 s1, $0x1  }
0x3: {  	s3 =	rddreg [dreg:$0x0];
	s5 =	sor.u32 s4, s5;
	s4 =	ssub.s32 $0x2, s4  }
0x4: {  	s2 =	rddreg [dreg:$0x1];
	s6 =	simm.s32 $0x0;
	s30 =	sshrl.u32 s4, $0x1  }
0x5: {  	[smem:$0x7FF] =	sst s6;
	s6 =	ssub.s32 s4, s30  }
0x6: {  	s0 =	rddreg [dreg:$0x2];
	s6 =	smax.u32 s6, $0x1  }
0x7: {  	s31 =	sshll.u32 s1, $0x6;
	s5 =	smul.u32 $0x19000, s5;
	p0 =	sne.s32 s6, $0x1  }
.Ltmp0:
0x8: {  	_ =	strace $0x80000047;
	s4 =	sor.u32 $0x1C01, s31;
	(pc) =	sbr.rel @!p0 .LBB2_2-.Ltmp0, $4  }
0x9: {  	s2 =	sadd.s32 s2, s5;
	s3 =	sadd.s32 s3, s5;
	s5 =	simm.s32 $0x1  }
0xa: {  	[hbm:s2], [sflag:s4] =	dma.local [hbm:s3], $0x19000  }
0xb: {  	_ =	swait.ge [sflag:s5], $0x19000  }
0xc: {  	s6 =	sadd.s32 $0xFFFFFFFF, s6;
	[sflag:s5] =	ssyncset.done $0x0  }
.LBB2_1:
0xd: {  	p0 =	sne.s32 s6, $0x1;
	s6 =	sadd.s32 $0xFFFFFFFF, s6;
	[sflag:s5] =	ssyncadd.s32 $0xFFFE7000  }
.Ltmp1:
0xe: {  	(pc) =	sbr.rel @p0 .LBB2_1-.Ltmp1, $4  }
0xf: {  	_ = 	snop  }
0x10: {  	[hbm:s2], [sflag:s4] =	dma.local [hbm:s3], $0x19000  }
0x11: {  	_ =	swait.ge [sflag:s5], $0x19000  }
0x12: {  	[sflag:s5] =	ssyncset.done $0x0  }
.LBB2_2:
0x13: {  	[sflag:s5] =	ssyncadd.s32 $0xFFFE7000  }
0x14: {  	_ =	sfence.sel $0x180000  }
0x15: {  	[bflag:$0x0] =	sbarrier.arrive $0xFFFF  }
0x16: {  	p0 =	sne.s32 s1, $0x0;
	_ =	strace $0x90000047  }
0x17: {  	s0 =	sadd.s32 @!p0 $0x100000, s0;
	[bflag:$0x2] =	sbarrier.arrive $0xFFFF  }
0x18: {  	[sflag:s0] =	ssyncadd.tile.s32 @!p0 $0x1;
	_ =	shalt  }
.Lfunc_end2:
_tile_overlayer_lowered:
.L_overlay_start_2:
0x19: {  	(tag) =	ssettag $0x2  }
0x1a: {  	s0 =	rddreg [dreg:$0x0];
	s2 =	stileid.u32  }
0x1b: {  	s1 =	rddreg [dreg:$0x1];
	p0 =	sne.s32 s2, $0x0  }
0x1c: {  	s3 =	rddreg [dreg:$0x2];
	[bflag:$0x3] =	sbarrier.arrive $0xFFFF;
	s2 =	simm.s32 @!p0 $0x1C01  }
0x1d: {  	[timem:s3], [sflag:s2] =	dma.local @!p0 [hbm:s0], s1  }
0x1e: {  	s0 =	simm.s32 @!p0 $0x1  }
0x1f: {  	_ =	swait.ge @!p0 [sflag:s0], s1  }
0x20: {  	s1 =	ssub.s32 @!p0 $0x0, s1;
	[sflag:s0] =	ssyncset.done @!p0 $0x0  }
0x21: {  	[sflag:s0] =	ssyncadd.s32 @!p0 s1  }
0x22: {  	[bflag:$0x3] =	sbarrier.arrive $0xFFFF  }
0x23: {  	_ =	shalt  }

</sc_bundles>
